<compile_context>
chip_gen: v7x
topology: tpu7x:2x2x1
jax: 0.10.2.dev20260603
libtpu: 0.0.44.dev20260713+nightly
codegen_flags: <defaults>
</compile_context>

<pallas_src>
import math

import jax
import jax.numpy as jnp
import numpy as np
from jax import lax
from jax.experimental import pallas as pl
from jax.experimental.pallas import tpu as pltpu
from jax.experimental.pallas import tpu_sc as plsc

EMBED_DIM = 1024
MAX_LENGTH = 2048
B, L = 4, 2048

TT = 256


def _make_pos_enc_np():
    position = np.arange(MAX_LENGTH)[:, None].astype(np.float32)
    div_term = np.exp(
        np.arange(0, EMBED_DIM, 2).astype(np.float32)
        * (-math.log(10000.0) / EMBED_DIM)
    )
    pe = np.zeros((MAX_LENGTH, EMBED_DIM), dtype=np.float32)
    pe[:, 0::2] = np.sin(position * div_term)
    pe[:, 1::2] = np.cos(position * div_term)
    return pe


_POS_ENC = _make_pos_enc_np()[:L]


def _sc_gather_body(lvl_hbm, table_hbm, row_hbm, lvl_v, row_v, row_sem):
    cid = lax.axis_index("c")
    sid = lax.axis_index("s")

    @pl.when(jnp.logical_and(cid == 0, sid == 0))
    def _():
        pltpu.sync_copy(lvl_hbm, lvl_v)
        pltpu.async_copy(table_hbm.at[lvl_v], row_v, row_sem).wait()
        pltpu.sync_copy(row_v, row_hbm)


def _sc_gather(level, summary_table):
    lvl_arr = jnp.reshape(jnp.asarray(level, jnp.int32), (1,))
    mesh = plsc.VectorSubcoreMesh(core_axis_name="c", subcore_axis_name="s")
    fn = pl.kernel(
        _sc_gather_body,
        out_type=jax.ShapeDtypeStruct((1, EMBED_DIM), jnp.float32),
        mesh=mesh,
        scratch_types=[
            pltpu.VMEM((1,), jnp.int32),
            pltpu.VMEM((1, EMBED_DIM), jnp.float32),
            pltpu.SemaphoreType.DMA,
        ],
    )
    return fn(lvl_arr, summary_table)


def _tc_head_body(lvl_ref, x_ref, pos_ref, table_ref, o_ref):
    row = table_ref[pl.ds(lvl_ref[0], 1), :]
    o_ref[...] = x_ref[...] + pos_ref[...][None] + row[None]


def _tc_tail_body(prev_ref, x_ref, pos_ref, row_ref, o_ref):
    del prev_ref
    o_ref[...] = x_ref[...] + pos_ref[...][None] + row_ref[...][None]


def kernel(x, level, summary_table):
    row = _sc_gather(level, summary_table)
    pos_enc = jnp.asarray(_POS_ENC)
    lvl_arr = jnp.reshape(jnp.asarray(level, jnp.int32), (1,))

    LH = L - TT

    head = pl.pallas_call(
        _tc_head_body,
        grid=(B,),
        in_specs=[
            pl.BlockSpec(memory_space=pltpu.SMEM),
            pl.BlockSpec((1, LH, EMBED_DIM), lambda j: (j, 0, 0)),
            pl.BlockSpec((LH, EMBED_DIM), lambda j: (0, 0)),
            pl.BlockSpec((16, EMBED_DIM), lambda j: (0, 0)),
        ],
        out_specs=pl.BlockSpec((1, LH, EMBED_DIM), lambda j: (j, 0, 0)),
        out_shape=jax.ShapeDtypeStruct((B, L, EMBED_DIM), jnp.float32),
    )(lvl_arr, x, pos_enc, summary_table)

    return pl.pallas_call(
        _tc_tail_body,
        grid=(B,),
        in_specs=[
            pl.BlockSpec(memory_space=pl.ANY),
            pl.BlockSpec((1, TT, EMBED_DIM), lambda j: (j, LH // TT, 0)),
            pl.BlockSpec((TT, EMBED_DIM), lambda j: (LH // TT, 0)),
            pl.BlockSpec((1, EMBED_DIM), lambda j: (0, 0)),
        ],
        out_specs=pl.BlockSpec((1, TT, EMBED_DIM), lambda j: (j, LH // TT, 0)),
        out_shape=jax.ShapeDtypeStruct((B, L, EMBED_DIM), jnp.float32),
        input_output_aliases={0: 0},
    )(head, x, pos_enc, row)

# --- scband reference (transcript-rebuilt; emitter-appended) ---
"""Pipeline reference for scband-fourier-summary-embedding-50680614093536 (READ-ONLY COPY).

The authoritative reference and input builder live on the scoring server;
editing this copy changes nothing except your own understanding.
"""

import jax, jax.numpy as jnp
import numpy as np
import math

EMBED_DIM = 1024
MAX_LEVELS = 16
MAX_LENGTH = 2048
B, L = 4, 2048


def make_pos_enc():
    position = np.arange(MAX_LENGTH)[:, None].astype(np.float32)
    div_term = np.exp(np.arange(0, EMBED_DIM, 2).astype(np.float32) * (-math.log(10000.0) / EMBED_DIM))
    pe = np.zeros((MAX_LENGTH, EMBED_DIM), dtype=np.float32)
    pe[:, 0::2] = np.sin(position * div_term)
    pe[:, 1::2] = np.cos(position * div_term)
    return jnp.asarray(pe)


def setup_inputs(seed: int = 0) -> dict:
    key = jax.random.key(seed)
    k1, k2 = jax.random.split(key)
    x = jax.random.normal(k1, (B, L, EMBED_DIM), dtype=jnp.float32)
    summary_table = jax.random.normal(k2, (MAX_LEVELS, EMBED_DIM), dtype=jnp.float32) * 0.02
    return {"x": x, "level": 3, "summary_table": summary_table}


def reference(x, level, summary_table):
    # Fourier (sinusoidal) positional encoding buffer, sliced to seq len
    pos_enc = make_pos_enc()
    pos_encoded = x + pos_enc[: x.shape[1], :]
    # learned summary embedding lookup for this hierarchy level
    level_idx = jnp.asarray(level, dtype=jnp.int32)
    level_embedding = jnp.take(summary_table, level_idx, axis=0)
    return pos_encoded + level_embedding

if __name__ == "__main__":
    import jax
    _d = setup_inputs()
    print(jax.jit(kernel)(*tuple(_d.values())))

</pallas_src>

<mosaic_0001>
#map = affine_map<(d0, d1) -> (0)>
#map1 = affine_map<(d0, d1) -> (0, 0)>
module attributes {stable_mosaic.version = 14 : i64} {
  func.func @_sc_gather_body(%arg0: i32, %arg1: i32, %arg2: memref<1xi32, #tpu.memory_space<hbm>>, %arg3: memref<16x1024xf32, #tpu.memory_space<hbm>>, %arg4: memref<1x1024xf32, #tpu.memory_space<hbm>>, %arg5: memref<1xi32, #tpu.memory_space<vmem>>, %arg6: memref<1x1024xf32, #tpu.memory_space<vmem>>, %arg7: memref<!tpu.dma_semaphore, #tpu.memory_space<semaphore_mem>>) attributes {dimension_semantics = [#tpu.dimension_semantics<core_parallel>, #tpu.dimension_semantics<subcore_parallel>], iteration_bounds = array<i64: 2, 16>, scalar_prefetch = 0 : i64, scratch_operands = 3 : i64, tpu.core_type = #tpu.core_type<sc_vector_subcore>, window_params = [{transform_indices = #map}, {transform_indices = #map1}, {transform_indices = #map1}]} {
    %eq3A = arith.constant 0 : i32
    %eq3A_0 = arith.cmpi eq, %arg0, %eq3A : i32
    %eq3A_1 = arith.constant 0 : i32
    %eq3A_2 = arith.cmpi eq, %arg1, %eq3A_1 : i32
    %and3A = arith.andi %eq3A_0, %eq3A_2 : i1
    %convert_element_type3A = arith.extui %and3A : i1 to i32
    %cond3A = arith.constant 0 : i32
    %cond3A_3 = arith.cmpi ne, %convert_element_type3A, %cond3A : i32
    scf.if %cond3A_3 {
      "tpu.region"() ({
        %run_scoped3A = tpu.sem_alloc : memref<!tpu.dma_semaphore, #tpu.memory_space<semaphore_mem>>
        tpu.enqueue_dma source(%arg2 : memref<1xi32, #tpu.memory_space<hbm>>) target(%arg5 : memref<1xi32, #tpu.memory_space<vmem>>) target_semaphore(%run_scoped3A : memref<!tpu.dma_semaphore, #tpu.memory_space<semaphore_mem>>)
        tpu.wait_dma2 semaphore(%run_scoped3A : memref<!tpu.dma_semaphore, #tpu.memory_space<semaphore_mem>>) src(%arg2 : memref<1xi32, #tpu.memory_space<hbm>>) dst(%arg5 : memref<1xi32, #tpu.memory_space<vmem>>)
        tpu.yield
      }) : () -> ()
      %dma_start3A = arith.constant 0 : i32
      %dma_start3A_4 = arith.constant 0 : i32
      %dma_start3A_5 = tpu.memref_slice %arg3[%dma_start3A, %dma_start3A_4] : memref<16x1024xf32, #tpu.memory_space<hbm>> -> memref<16x1024xf32, #tpu.memory_space<hbm>>
      tpu.enqueue_indirect_dma source(%dma_start3A_5 : memref<16x1024xf32, #tpu.memory_space<hbm>>) target(%arg6 : memref<1x1024xf32, #tpu.memory_space<vmem>>) offsets(%arg5 : memref<1xi32, #tpu.memory_space<vmem>>) semaphore(%arg7 : memref<!tpu.dma_semaphore, #tpu.memory_space<semaphore_mem>>)
      %dma_wait3A = arith.constant 0 : i32
      %dma_wait3A_6 = arith.constant 0 : i32
      %dma_wait3A_7 = tpu.memref_slice %arg3[%dma_wait3A, %dma_wait3A_6] : memref<16x1024xf32, #tpu.memory_space<hbm>> -> memref<16x1024xf32, #tpu.memory_space<hbm>>
      tpu.wait_indirect_dma semaphore(%arg7 : memref<!tpu.dma_semaphore, #tpu.memory_space<semaphore_mem>>) src(%dma_wait3A_7 : memref<16x1024xf32, #tpu.memory_space<hbm>>) dst(%arg6 : memref<1x1024xf32, #tpu.memory_space<vmem>>)
      "tpu.region"() ({
        %run_scoped3A = tpu.sem_alloc : memref<!tpu.dma_semaphore, #tpu.memory_space<semaphore_mem>>
        tpu.enqueue_dma source(%arg6 : memref<1x1024xf32, #tpu.memory_space<vmem>>) target(%arg4 : memref<1x1024xf32, #tpu.memory_space<hbm>>) target_semaphore(%run_scoped3A : memref<!tpu.dma_semaphore, #tpu.memory_space<semaphore_mem>>)
        tpu.wait_dma2 semaphore(%run_scoped3A : memref<!tpu.dma_semaphore, #tpu.memory_space<semaphore_mem>>) src(%arg6 : memref<1x1024xf32, #tpu.memory_space<vmem>>) dst(%arg4 : memref<1x1024xf32, #tpu.memory_space<hbm>>)
        tpu.yield
      }) : () -> ()
    } else {
    }
    return
  }
}

module attributes {stable_mosaic.version = 14 : i64} {
  func.func @_tc_tail_body(%arg0: i32, %arg1: memref<4x2048x1024xf32, #tpu.memory_space<any>>, %arg2: memref<1x256x1024xf32, #tpu.memory_space<vmem>>, %arg3: memref<256x1024xf32, #tpu.memory_space<vmem>>, %arg4: memref<1x1024xf32, #tpu.memory_space<vmem>>, %arg5: memref<1x256x1024xf32, #tpu.memory_space<vmem>>) attributes {dimension_semantics = [#tpu.dimension_semantics<arbitrary>], iteration_bounds = array<i64: 4>, scalar_prefetch = 0 : i64, scratch_operands = 0 : i64, tpu.core_type = #tpu.core_type<tc>, window_params = [{}, {transform_indices = @transform_1, window_bounds = array<i64: 1, 256, 1024>}, {transform_indices = @transform_2, window_bounds = array<i64: 256, 1024>}, {pipeline_mode = #tpu.pipeline_mode<synchronous>, transform_indices = @transform_3, window_bounds = array<i64: 1, 1024>}, {transform_indices = @transform_4, window_bounds = array<i64: 1, 256, 1024>}]} {
    %get3A = arith.constant 0 : index
    %get3A_0 = arith.constant 0 : index
    %get3A_1 = arith.constant 0 : index
    %get3A_2 = vector.load %arg2[%get3A, %get3A_0, %get3A_1] : memref<1x256x1024xf32, #tpu.memory_space<vmem>>, vector<1x256x1024xf32>
    %get3A_3 = arith.constant 0 : index
    %get3A_4 = arith.constant 0 : index
    %get3A_5 = vector.load %arg3[%get3A_3, %get3A_4] : memref<256x1024xf32, #tpu.memory_space<vmem>>, vector<256x1024xf32>
    %broadcast_in_dim3A = vector.shape_cast %get3A_5 : vector<256x1024xf32> to vector<1x256x1024xf32>
    %add3A = arith.addf %get3A_2, %broadcast_in_dim3A : vector<1x256x1024xf32>
    %get3A_6 = arith.constant 0 : index
    %get3A_7 = arith.constant 0 : index
    %get3A_8 = vector.load %arg4[%get3A_6, %get3A_7] : memref<1x1024xf32, #tpu.memory_space<vmem>>, vector<1x1024xf32>
    %broadcast_in_dim3A_9 = vector.shape_cast %get3A_8 : vector<1x1024xf32> to vector<1x1x1024xf32>
    %add3A_10 = vector.broadcast %broadcast_in_dim3A_9 : vector<1x1x1024xf32> to vector<1x256x1024xf32>
    %add3A_11 = arith.addf %add3A, %add3A_10 : vector<1x256x1024xf32>
    %swap3A = arith.constant 0 : index
    %swap3A_12 = arith.constant 0 : index
    %swap3A_13 = arith.constant 0 : index
    %swap3A_14 = vector.load %arg5[%swap3A, %swap3A_12, %swap3A_13] : memref<1x256x1024xf32, #tpu.memory_space<vmem>>, vector<1x256x1024xf32>
    tpu.vector_store %arg5[%swap3A, %swap3A_12, %swap3A_13], %add3A_11 {strides = array<i32>} : memref<1x256x1024xf32, #tpu.memory_space<vmem>>, vector<1x256x1024xf32>,
    return
  }
  func.func @transform_1(%arg0: i32) -> (i32, i32, i32) {
    %c7_i32 = arith.constant 7 : i32
    %c0_i32 = arith.constant 0 : i32
    %c0_i32_0 = arith.constant 0 : i32
    return %arg0, %c7_i32, %c0_i32 : i32, i32, i32
  }
  func.func @transform_2(%arg0: i32) -> (i32, i32) {
    %c7_i32 = arith.constant 7 : i32
    %c0_i32 = arith.constant 0 : i32
    %c0_i32_0 = arith.constant 0 : i32
    return %c7_i32, %c0_i32 : i32, i32
  }
  func.func @transform_3(%arg0: i32) -> (i32, i32) {
    %c0_i32 = arith.constant 0 : i32
    %c0_i32_0 = arith.constant 0 : i32
    %c0_i32_1 = arith.constant 0 : i32
    return %c0_i32, %c0_i32_0 : i32, i32
  }
  func.func @transform_4(%arg0: i32) -> (i32, i32, i32) {
    %c7_i32 = arith.constant 7 : i32
    %c0_i32 = arith.constant 0 : i32
    %c0_i32_0 = arith.constant 0 : i32
    return %arg0, %c7_i32, %c0_i32 : i32, i32, i32
  }
}

module attributes {stable_mosaic.version = 14 : i64} {
  func.func @_tc_head_body(%arg0: i32, %arg1: memref<1xi32, #tpu.memory_space<smem>>, %arg2: memref<1x1792x1024xf32, #tpu.memory_space<vmem>>, %arg3: memref<1792x1024xf32, #tpu.memory_space<vmem>>, %arg4: memref<16x1024xf32, #tpu.memory_space<vmem>>, %arg5: memref<1x1792x1024xf32, #tpu.memory_space<vmem>>) attributes {dimension_semantics = [#tpu.dimension_semantics<arbitrary>], iteration_bounds = array<i64: 4>, scalar_prefetch = 0 : i64, scratch_operands = 0 : i64, tpu.core_type = #tpu.core_type<tc>, window_params = [{transform_indices = @transform_0, window_bounds = array<i64: 1>}, {transform_indices = @transform_1, window_bounds = array<i64: 1, 1792, 1024>}, {transform_indices = @transform_2, window_bounds = array<i64: 1792, 1024>}, {pipeline_mode = #tpu.pipeline_mode<synchronous>, transform_indices = @transform_3, window_bounds = array<i64: 16, 1024>}, {transform_indices = @transform_4, window_bounds = array<i64: 1, 1792, 1024>}]} {
    %get3A = arith.constant 0 : index
    %get3A_0 = memref.load %arg1[%get3A] : memref<1xi32, #tpu.memory_space<smem>>
    %get3A_1 = arith.index_cast %get3A_0 : i32 to index
    %get3A_2 = arith.constant 0 : index
    %get3A_3 = vector.load %arg4[%get3A_1, %get3A_2] : memref<16x1024xf32, #tpu.memory_space<vmem>>, vector<1x1024xf32>
    %get3A_4 = arith.constant 0 : index
    %get3A_5 = arith.constant 0 : index
    %get3A_6 = arith.constant 0 : index
    %get3A_7 = vector.load %arg2[%get3A_4, %get3A_5, %get3A_6] : memref<1x1792x1024xf32, #tpu.memory_space<vmem>>, vector<1x1792x1024xf32>
    %get3A_8 = arith.constant 0 : index
    %get3A_9 = arith.constant 0 : index
    %get3A_10 = vector.load %arg3[%get3A_8, %get3A_9] : memref<1792x1024xf32, #tpu.memory_space<vmem>>, vector<1792x1024xf32>
    %broadcast_in_dim3A = vector.shape_cast %get3A_10 : vector<1792x1024xf32> to vector<1x1792x1024xf32>
    %add3A = arith.addf %get3A_7, %broadcast_in_dim3A : vector<1x1792x1024xf32>
    %broadcast_in_dim3A_11 = vector.shape_cast %get3A_3 : vector<1x1024xf32> to vector<1x1x1024xf32>
    %add3A_12 = vector.broadcast %broadcast_in_dim3A_11 : vector<1x1x1024xf32> to vector<1x1792x1024xf32>
    %add3A_13 = arith.addf %add3A, %add3A_12 : vector<1x1792x1024xf32>
    %swap3A = arith.constant 0 : index
    %swap3A_14 = arith.constant 0 : index
    %swap3A_15 = arith.constant 0 : index
    %swap3A_16 = vector.load %arg5[%swap3A, %swap3A_14, %swap3A_15] : memref<1x1792x1024xf32, #tpu.memory_space<vmem>>, vector<1x1792x1024xf32>
    tpu.vector_store %arg5[%swap3A, %swap3A_14, %swap3A_15], %add3A_13 {strides = array<i32>} : memref<1x1792x1024xf32, #tpu.memory_space<vmem>>, vector<1x1792x1024xf32>,
    return
  }
  func.func @transform_0(%arg0: i32) -> i32 {
    %c0_i32 = arith.constant 0 : i32
    %c0_i32_0 = arith.constant 0 : i32
    return %c0_i32 : i32
  }
  func.func @transform_1(%arg0: i32) -> (i32, i32, i32) {
    %c0_i32 = arith.constant 0 : i32
    %c0_i32_0 = arith.constant 0 : i32
    %c0_i32_1 = arith.constant 0 : i32
    return %arg0, %c0_i32, %c0_i32_0 : i32, i32, i32
  }
  func.func @transform_2(%arg0: i32) -> (i32, i32) {
    %c0_i32 = arith.constant 0 : i32
    %c0_i32_0 = arith.constant 0 : i32
    %c0_i32_1 = arith.constant 0 : i32
    return %c0_i32, %c0_i32_0 : i32, i32
  }
  func.func @transform_3(%arg0: i32) -> (i32, i32) {
    %c0_i32 = arith.constant 0 : i32
    %c0_i32_0 = arith.constant 0 : i32
    %c0_i32_1 = arith.constant 0 : i32
    return %c0_i32, %c0_i32_0 : i32, i32
  }
  func.func @transform_4(%arg0: i32) -> (i32, i32, i32) {
    %c0_i32 = arith.constant 0 : i32
    %c0_i32_0 = arith.constant 0 : i32
    %c0_i32_1 = arith.constant 0 : i32
    return %arg0, %c0_i32, %c0_i32_0 : i32, i32, i32
  }
}

</mosaic_0001>

<sc_bundles>
// kernel: kernel.5.cloned.1.call-start
scs
__scs_entry_jumppad:
0x0: {  	(pc) =	sbr.rel $0x88, $3  }
0x1: {  	(tag) =	ssettag $0x0;
	lr =	simm.s32 $0x1  }
0x2: {  	[smem:$0x3F9E] =	sst lr;
	_ =	strace $0xD0000000  }
0x3: {  	_ = 	snop  }
0x4: {  	_ = 	snop  }
0x5: {  	_ = 	snop  }
0x6: {  	_ = 	snop  }
0x7: {  	_ = 	snop  }
__scs_overlays_trampoline_lowered:
0x8: {  	[smem:$0x3FAD] =	sst s0  }
0x9: {  	[smem:$0x3FAE] =	sst s1  }
0xa: {  	[smem:$0x3FAF] =	sst s2  }
0xb: {  	[smem:$0x3FB0] =	sst s3  }
0xc: {  	[smem:$0x3FB1] =	sst s4  }
0xd: {  	[smem:$0x3FB2] =	sst s5  }
0xe: {  	[smem:$0x3FB3] =	sst s6  }
0xf: {  	[smem:$0x3FB4] =	sst s7  }
0x10: {  	[smem:$0x3FB5] =	sst s8  }
0x11: {  	[smem:$0x3FB6] =	sst s9;
	s0 =	simm.s32 @!p0 $0x0  }
0x12: {  	s1 =	sld [smem:$0x3F9C];
	s0 =	simm.s32 @p0 $0x1  }
0x13: {  	[smem:$0x3FB7] =	sst s0;
	s0 =	simm.s32 @!p1 $0x0  }
0x14: {  	s2 =	sld [smem:$0x3F9B];
	s0 =	simm.s32 @p1 $0x1  }
0x15: {  	[smem:$0x3FB8] =	sst s0;
	s0 =	simm.s32 @!p2 $0x0  }
0x16: {  	s3 =	sld [smem:$0x3FDB];
	s0 =	simm.s32 @p2 $0x1  }
0x17: {  	s4 =	simm.s32 $0x1BF5;
	[smem:$0x3FBA] =	sst s0  }
0x18: {  	s0 =	sld [smem:$0x3F9D];
	_ =	swait.ge [sflag:s4], $0x0  }
0x19: {  	s7 =	sld [smem:$0x3F9E]  }
0x1a: {  	s8 =	sadd.s32 $0xFFFFE003, lr  }
0x1b: {  	s9 =	sadd.s32 $0xFFFFFEF7, lr;
	s5 =	simm.s32 $0xFFFFFFFF;
	p2 =	slt.u32 s8, $0xFFFFF086  }
0x1c: {  	p1 =	slt.u32 s9, $0xF7A;
	s5 =	simm.s32 @!p2 $0x0  }
0x1d: {  	s5 =	simm.s32 @p1 $0x1;
	p0 =	seq.s32 s7, s2  }
0x1e: {  	s7 =	smul.u32 @!p0 $0xF7A, s2;
	p2 =	seq.s32 @!p0 s5, $0x0  }
0x1f: {  	s9 =	smul.u32 $0xF7A, s1;
	s8 =	simm.s32 @!p0 $0x1BF5;
	p2 =	por !p2, p0  }
0x20: {  	[sflag:s8] =	ssyncset.s32 @!p0 $0xFFFFF086;
	s6 =	sadd.s32 @!p0 s3, s7;
	s7 =	simm.s32 @!p0 $0x108  }
0x21: {  	s3 =	sadd.s32 s3, s9;
	s6 =	sadd.s32 @!p0 $0x88, s6;
	s7 =	simm.s32 @p2 $0x1082  }
0x22: {  	[simem:s7], [sflag:s8] =	dma.local @!p0 [hbm:s6], $0xF7A  }
0x23: {  	s9 =	sor.u32 $0xD0000000, s2;
	s6 =	simm.s32 $0x108;
	_ =	swait.ge @!p0 [sflag:s8], $0x0  }
0x24: {  	s3 =	sadd.s32 $0x88, s3;
	s6 =	simm.s32 @!p1 $0x1082;
	[sflag:s4] =	ssyncset.s32 $0xFFFFF086  }
0x25: {  	[simem:s6], [sflag:s4] =	dma.local [hbm:s3], $0xF7A  }
0x26: {  	[smem:$0x3F9E] =	sst s1;
	(tag) =	ssettag s2;
	_ =	strace s9  }
0x27: {  	s1 =	sld [smem:$0x3FAE]  }
0x28: {  	s2 =	sld [smem:$0x3FAF]  }
0x29: {  	s4 =	sld [smem:$0x3FB1]  }
0x2a: {  	p0 =	seq.s32 s5, $0x0;
	s5 =	sld [smem:$0x3FB2]  }
0x2b: {  	s6 =	sld [smem:$0x3FB3]  }
0x2c: {  	s7 =	sld [smem:$0x3FB4]  }
0x2d: {  	s3 =	simm.s32 $0x108;
	s8 =	sld [smem:$0x3FB5]  }
0x2e: {  	s3 =	simm.s32 @!p0 $0x1082;
	s9 =	sld [smem:$0x3FB6]  }
0x2f: {  	lr =	sadd.s32 s0, s3;
	s0 =	sld [smem:$0x3FAD]  }
0x30: {  	s3 =	sld [smem:$0x3FB0]  }
0x31: {  	[smem:$0x3FB9] =	sst s10  }
0x32: {  	s10 =	sld [smem:$0x3FB7];
	_ =	sdelay $0x3  }
0x33: {  	p0 =	seq.s32 s10, $0x1;
	s10 =	sld [smem:$0x3FB9];
	_ =	sdelay $0x3  }
0x34: {  	[smem:$0x3FB9] =	sst s10  }
0x35: {  	s10 =	sld [smem:$0x3FB8];
	_ =	sdelay $0x3  }
0x36: {  	p1 =	seq.s32 s10, $0x1;
	s10 =	sld [smem:$0x3FB9];
	_ =	sdelay $0x3  }
0x37: {  	[smem:$0x3FB9] =	sst s10  }
0x38: {  	s10 =	sld [smem:$0x3FBA]  }
0x39: {  	_ = 	snop;
	(pc) =	sbr.ind lr, $3  }
0x3a: {  	_ = 	snop  }
0x3b: {  	_ = 	snop  }
0x3c: {  	p2 =	seq.s32 s10, $0x1;
	s10 =	sld [smem:$0x3FB9]  }
0x3d: {  	_ =	shalt  }
0x3e: {  	_ =	shalt  }
0x3f: {  	_ =	shalt  }
0x40: {  	_ =	shalt  }
0x41: {  	_ =	shalt  }
0x42: {  	_ =	shalt  }
0x43: {  	_ =	shalt  }
0x44: {  	_ =	shalt  }
0x45: {  	_ =	shalt  }
0x46: {  	_ =	shalt  }
0x47: {  	_ =	shalt  }
0x48: {  	_ =	shalt  }
0x49: {  	_ =	shalt  }
0x4a: {  	_ =	shalt  }
0x4b: {  	_ =	shalt  }
0x4c: {  	_ =	shalt  }
0x4d: {  	_ =	shalt  }
0x4e: {  	_ =	shalt  }
0x4f: {  	_ =	shalt  }
0x50: {  	_ =	shalt  }
0x51: {  	_ =	shalt  }
0x52: {  	_ =	shalt  }
0x53: {  	_ =	shalt  }
0x54: {  	_ =	shalt  }
0x55: {  	_ =	shalt  }
0x56: {  	_ =	shalt  }
0x57: {  	_ =	shalt  }
0x58: {  	_ =	shalt  }
0x59: {  	_ =	shalt  }
0x5a: {  	_ =	shalt  }
0x5b: {  	_ =	shalt  }
0x5c: {  	_ =	shalt  }
0x5d: {  	_ =	shalt  }
0x5e: {  	_ =	shalt  }
0x5f: {  	_ =	shalt  }
0x60: {  	_ =	shalt  }
0x61: {  	_ =	shalt  }
0x62: {  	_ =	shalt  }
0x63: {  	_ =	shalt  }
0x64: {  	_ =	shalt  }
0x65: {  	_ =	shalt  }
0x66: {  	_ =	shalt  }
0x67: {  	_ =	shalt  }
0x68: {  	_ =	shalt  }
0x69: {  	_ =	shalt  }
0x6a: {  	_ =	shalt  }
0x6b: {  	_ =	shalt  }
0x6c: {  	_ =	shalt  }
0x6d: {  	_ =	shalt  }
0x6e: {  	_ =	shalt  }
0x6f: {  	_ =	shalt  }
0x70: {  	_ =	shalt  }
0x71: {  	_ =	shalt  }
0x72: {  	_ =	shalt  }
0x73: {  	_ =	shalt  }
0x74: {  	_ =	shalt  }
0x75: {  	_ =	shalt  }
0x76: {  	_ =	shalt  }
0x77: {  	_ =	shalt  }
0x78: {  	_ =	shalt  }
0x79: {  	_ =	shalt  }
0x7a: {  	_ =	shalt  }
0x7b: {  	_ =	shalt  }
0x7c: {  	_ =	shalt  }
0x7d: {  	_ =	shalt  }
0x7e: {  	_ =	shalt  }
0x7f: {  	_ =	shalt  }
0x80: {  	_ =	shalt  }
0x81: {  	_ =	shalt  }
0x82: {  	_ =	shalt  }
0x83: {  	_ =	shalt  }
0x84: {  	_ =	shalt  }
0x85: {  	_ =	shalt  }
0x86: {  	_ =	shalt  }
0x87: {  	_ =	shalt  }
.Lfunc_end0:
.L_simem_size_0:
called_computation_lowered:
.L_overlay_start_0:
0x88: {  	s2 =	sld [smem:$0x3FD9]  }
0x89: {  	s3 =	sld [smem:$0x3FFE];
	_ =	sdelay $0x1  }
0x8a: {  	s1 =	srdreg.scid  }
0x8b: {  	s0 =	sand.u32 $0x1, s1  }
0x8c: {  	s17 =	sshll.u32 s0, $0xA;
	s2 =	sadd.s32 s3, s2  }
0x8d: {  	s2 =	sadd.s32 s2, s17  }
0x8e: {  	[smem:$0x3FC5] =	sst s2  }
0x8f: {  	_ = 	snop  }
0x90: {  	s2 =	sld [smem:$0x3FC8]  }
0x91: {  	s18 =	sld [smem:$0x3FC7];
	(tm) =	ssettm $0x1  }
0x92: {  	s4 =	sld [smem:$0x3FFB];
	_ =	sdelay $0x3  }
0x93: {  	_ =	strace s4  }
0x94: {  	s4 =	sld [smem:$0x3FFC];
	_ =	sdelay $0x3  }
0x95: {  	_ =	strace s4  }
0x96: {  	s4 =	sld [smem:$0x3FFD];
	_ =	sdelay $0x3  }
0x97: {  	_ =	strace s4  }
0x98: {  	_ =	strace $0x8FFFFFFF  }
0x99: {  	s19 =	sld [smem:$0x3FDB];
	_ =	sdelay $0x1  }
0x9a: {  	s5 =	simm.s32 $_scs_section_size  }
0x9b: {  	s6 =	simm.s32 $_size__tile_overlayer_lowered;
	s7 =	simm.s32 $_tile_overlayer_lowered  }
0x9c: {  	s22 =	simm.s32 $0x1BFF;
	s21 =	sshll.u32 s7, $0x1;
	s4 =	sadd.s32 s5, s19  }
0x9d: {  	s8 =	simm.s32 $0x0;
	s20 =	sshll.u32 s6, $0x1;
	s6 =	sadd.s32 s21, s4  }
0x9e: {  	[timem:s8], [sflag:s22] =	dma.local [hbm:s6], s20  }
0x9f: {  	_ =	swait.ge [sflag:s22], s20  }
0xa0: {  	s5 =	ssub.s32 $0x0, s20;
	[sflag:s22] =	ssyncset.done $0x0  }
0xa1: {  	[sflag:s22] =	ssyncadd.s32 s5;
	_ =	sdelay $0x1  }
0xa2: {  	s23 =	simm.s32 $0x1B8B  }
0xa3: {  	_ =	swait.ge [sflag:s23], $0x1  }
0xa4: {  	[sflag:s23] =	ssyncset.done $0x0  }
0xa5: {  	s25 =	simm.s32 $0x1B8E;
	s24 =	sld [smem:$0x3FFE];
	[sflag:s23] =	ssyncadd.s32 $0xFFFFFFFF  }
0xa6: {  	s26 =	simm.s32 $execute0_lowered;
	[smem:$0x3FD2] =	sst s25  }
0xa7: {  	s6 =	sshll.u32 s26, $0x1;
	_ =	strace $0x80000046;
	[dreg:$0x1] =	wrdreg $0xFFFFFFFF  }
0xa8: {  	s28 =	simm.s32 $_size_execute0_lowered;
	s4 =	sadd.s32 s4, s6;
	[dreg:$0x0] =	wrdreg $0x0  }
0xa9: {  	s6 =	sshll.u32 s28, $0x1;
	[dreg:$0x2] =	wrdreg s4  }
0xaa: {  	[dreg:$0x3] =	wrdreg s6  }
0xab: {  	[dreg:$0x4] =	wrdreg $0xC0  }
0xac: {  	_ =	task [dreg:s8], $0x5FFFF  }
0xad: {  	[dreg:$0x1] =	wrdreg $0xFFFFFFFF  }
0xae: {  	[dreg:$0x0] =	wrdreg $0x60  }
0xaf: {  	[dreg:$0x2] =	wrdreg s2  }
0xb0: {  	[dreg:$0x3] =	wrdreg s18  }
0xb1: {  	[dreg:$0x4] =	wrdreg s24  }
0xb2: {  	[dreg:$0x5] =	wrdreg $0x9  }
0xb3: {  	_ =	task.clear_ibuf [dreg:s8], $0x6FFFF;
	_ =	strace $0x90000046  }
0xb4: {  	s29 =	simm.s32 $0x9;
	_ =	strace $0x80000048  }
0xb5: {  	_ =	swait.ge [sflag:s29], $0x1  }
0xb6: {  	[sflag:s29] =	ssyncadd.s32 $0xFFFFFFFF  }
0xb7: {  	_ =	strace $0x90000048  }
0xb8: {  	_ =	sfence  }
0xb9: {  	s30 =	sld [smem:$0x0];
	_ =	sdelay $0x2  }
0xba: {  	s31 =	sshll.u32 s1, $0xD;
	s1 =	sshrl.u32 s1, $0x2  }
0xbb: {  	s3 =	sand.u32 $0x4000, s31;
	s1 =	sadd.s32 s1, s30  }
0xbc: {  	s0 =	sor.u32 s3, s0;
	s1 =	sshll.u32 s1, $0x11  }
0xbd: {  	s0 =	sor.u32 s1, s0  }
0xbe: {  	s0 =	sadd.s32 $0x8F2B, s0  }
0xbf: {  	[sflag:s0] =	ssyncadd.remote.s32 $0x1  }
0xc0: {  	_ =	sfence.sel $0xFFFF  }
0xc1: {  	[dreg:$0x0] =	wrdreg $0xFFFFFFFF;
	(pc) =	sbr.abs _section_cstart, $3  }
0xc2: {  	[dreg:$0x1] =	wrdreg $0xFFFFFFFF  }
0xc3: {  	_ =	task.clear_ibuf [dreg:s8], $0x2FFFF;
	_ =	strace $0x9FFFFFFF  }
0xc4: {  	(tm) =	ssettm $0x7FFFFFFF  }
0xc5: {  	_ =	shalt  }
tec
execute0_lowered:
.L_overlay_start_1:
0x0: {  	(tag) =	ssettag $0x1  }
0x1: {  	s0 =	srdreg.scid  }
0x2: {  	s9 =	sand.u32 $0x1, s0;
	s0 =	stileid.u32  }
0x3: {  	s4 =	sor.u32 s0, s9  }
0x4: {  	p0 =	sne.s32 s4, $0x0  }
.Ltmp0:
0x5: {  	_ = 	snop;
	(pc) =	sbr.rel @p0 .LBB2_4-.Ltmp0, $4  }
0x6: {  	s2 =	rddreg [dreg:$0x0]  }
0x7: {  	s3 =	rddreg [dreg:$0x1]  }
0x8: {  	s8 =	rddreg [dreg:$0x2]  }
0x9: {  	s1 =	rddreg [dreg:$0x3];
	_ =	strace $0x80000047  }
0xa: {  	s5 =	simm.s32 $0x0;
	s4 =	simm.s32 $0x2  }
0xb: {  	[tilespmem:s5], [sflag:$0x2] =	stream.linear.gather [hbm4b:s2+s5], $0x80, $0x38;
	[tilespmem:$0x480] =	vst v63  }
0xc: {  	_ =	swait.ge [sflag:s4], $0x80  }
0xd: {  	[sflag:s4] =	ssyncset.done $0x0  }
0xe: {  	[sflag:s4] =	ssyncadd.s32 $0xFFFFFF80  }
0xf: {  	v0 =	vld.msk [tilespmem:$0x0], $0x1;
	_ =	sdelay $0x4  }
0x10: {  	v1 =	vshll.u32 v0, $0x3  }
0x11: {  	v2 =	vand.u32 $0x7, v0;
	v1 =	vand.u32 $0xFFFFFFC0, v1  }
0x12: {  	v3 =	vlaneseq.u32;
	v0 =	vimm.s32 $0x0;
	v2 =	vor.u32 v2, v1  }
0x13: {  	v1 =	vmul.u32 $0x8, v3;
	v2 =	vperm.xlane v2, v0;
	_ =	sdelay $0x1  }
0x14: {  	v2 =	vadd.s32 v1, v2;
	_ =	sdelay $0x1  }
0x15: {  	s9 =	ssub.s32 $0x2, s9  }
0x16: {  	s10 =	sshrl.u32 s9, $0x1  }
0x17: {  	vm0 =	vmmov $0xff;
	s6 =	simm.s32 $0x80;
	s7 =	simm.s32 $0x1;
	s9 =	ssub.s32 s9, s10  }
0x18: {  	[tilespmem:s6], [sflag:$0x1] =	stream.indirect_vreg.gather [hbm4b:s3+s5], $0x80, v2, vm0, $0xb8;
	[tilespmem:$0x480] =	vst v63  }
0x19: {  	p0 =	sne.s32 s9, $0x1;
	_ =	swait.ge [sflag:s7], $0x400  }
.Ltmp1:
0x1a: {  	[sflag:s7] =	ssyncset.done $0x0;
	(pc) =	sbr.rel @!p0 .LBB2_3-.Ltmp1, $4  }
0x1b: {  	s8 =	sadd.s32 $0xA00, s8;
	[sflag:s7] =	ssyncadd.s32 $0xFFFFFC00  }
0x1c: {  	[hbm4b:s8+s5] =	stream.linear.scatter [tilespmem:s6], [sflag:$0x2], $0x400, $0x38;
	[tilespmem:$0x480] =	vst v63  }
0x1d: {  	_ =	swait.ge [sflag:s4], $0x400  }
0x1e: {  	s9 =	sadd.s32 $0xFFFFFFFF, s9;
	[sflag:s4] =	ssyncset.done $0x0  }
.LBB2_2:
0x1f: {  	p0 =	sne.s32 s9, $0x1;
	s9 =	sadd.s32 $0xFFFFFFFF, s9;
	[sflag:s4] =	ssyncadd.s32 $0xFFFFFC00  }
0x20: {  	[tilespmem:s5], [sflag:$0x2] =	stream.linear.gather [hbm4b:s2+s5], $0x80, $0x38;
	[tilespmem:$0x480] =	vst v63  }
0x21: {  	_ =	swait.ge [sflag:s4], $0x80  }
0x22: {  	[sflag:s4] =	ssyncset.done $0x0  }
0x23: {  	[sflag:s4] =	ssyncadd.s32 $0xFFFFFF80  }
0x24: {  	v2 =	vld.msk [tilespmem:$0x0], $0x1;
	_ =	sdelay $0x4  }
0x25: {  	v3 =	vshll.u32 v2, $0x3  }
0x26: {  	v2 =	vand.u32 $0x7, v2;
	v3 =	vand.u32 $0xFFFFFFC0, v3  }
0x27: {  	v2 =	vor.u32 v2, v3  }
0x28: {  	v2 =	vperm.xlane v2, v0;
	_ =	sdelay $0x1  }
0x29: {  	v2 =	vadd.s32 v1, v2;
	_ =	sdelay $0x4  }
0x2a: {  	[tilespmem:s6], [sflag:$0x1] =	stream.indirect_vreg.gather [hbm4b:s3+s5], $0x80, v2, vm0, $0xb8;
	[tilespmem:$0x480] =	vst v63  }
0x2b: {  	_ =	swait.ge [sflag:s7], $0x400  }
.Ltmp2:
0x2c: {  	[sflag:s7] =	ssyncset.done $0x0;
	(pc) =	sbr.rel @p0 .LBB2_2-.Ltmp2, $4  }
0x2d: {  	[sflag:s7] =	ssyncadd.s32 $0xFFFFFC00  }
0x2e: {  	[hbm4b:s8+s5] =	stream.linear.scatter [tilespmem:s6], [sflag:$0x2], $0x400, $0x38;
	[tilespmem:$0x480] =	vst v63  }
0x2f: {  	_ =	swait.ge [sflag:s4], $0x400  }
0x30: {  	[sflag:s4] =	ssyncset.done $0x0  }
.LBB2_3:
0x31: {  	[sflag:s4] =	ssyncadd.s32 $0xFFFFFC00  }
.LBB2_4:
0x32: {  	_ =	sfence.sel $0x180000  }
0x33: {  	[bflag:$0x0] =	sbarrier.arrive $0xFFFF  }
0x34: {  	p0 =	sne.s32 s0, $0x0;
	_ =	strace $0x90000047  }
0x35: {  	s0 =	sadd.s32 @!p0 $0x100000, s1;
	[bflag:$0x2] =	sbarrier.arrive $0xFFFF  }
0x36: {  	[sflag:s0] =	ssyncadd.tile.s32 @!p0 $0x1;
	_ =	shalt  }
.Lfunc_end2:
_tile_overlayer_lowered:
.L_overlay_start_2:
0x37: {  	(tag) =	ssettag $0x2  }
0x38: {  	s0 =	rddreg [dreg:$0x0];
	s2 =	stileid.u32  }
0x39: {  	s1 =	rddreg [dreg:$0x1];
	p0 =	sne.s32 s2, $0x0  }
0x3a: {  	s3 =	rddreg [dreg:$0x2];
	[bflag:$0x3] =	sbarrier.arrive $0xFFFF;
	s2 =	simm.s32 @!p0 $0x1C02  }
0x3b: {  	[timem:s3], [sflag:s2] =	dma.local @!p0 [hbm:s0], s1  }
0x3c: {  	s0 =	simm.s32 @!p0 $0x2  }
0x3d: {  	_ =	swait.ge @!p0 [sflag:s0], s1  }
0x3e: {  	s1 =	ssub.s32 @!p0 $0x0, s1;
	[sflag:s0] =	ssyncset.done @!p0 $0x0  }
0x3f: {  	[sflag:s0] =	ssyncadd.s32 @!p0 s1  }
0x40: {  	[bflag:$0x3] =	sbarrier.arrive $0xFFFF  }
0x41: {  	_ =	shalt  }

</sc_bundles>
